<compile_context>
chip_gen: v7x
topology: tpu7x:2x2x1
jax: 0.10.2.dev20260603
libtpu: 0.0.44.dev20260713+nightly
codegen_flags: <defaults>
</compile_context>

<pallas_src>
import functools

import jax
import jax.numpy as jnp
from jax import lax
from jax.experimental import pallas as pl
from jax.experimental.pallas import tpu as pltpu
from jax.experimental.pallas import tpu_sc as plsc

D_SYM = 64
D_MODEL = 128

_NC = 2
_NS = 16
_NW = _NC * _NS

_G = 128
_GROUP = 8
_ROWS = _G * _GROUP


def _gather_sc(table, ids2d, n_rows):
    per_w = n_rows // _NW
    n_g = per_w // _G
    n_groups = per_w // _ROWS
    mesh = plsc.VectorSubcoreMesh(core_axis_name="c", subcore_axis_name="s")

    @functools.partial(
        pl.kernel,
        mesh=mesh,
        compiler_params=pltpu.CompilerParams(use_tc_tiling_on_sc=False),
        out_type=jax.ShapeDtypeStruct((n_rows, D_SYM), jnp.float32),
        scratch_types=[
            pltpu.VMEM((n_g, _G), jnp.int32),
            pltpu.VMEM((_ROWS, D_SYM), jnp.float32),
            pltpu.SemaphoreType.DMA,
        ],
    )
    def gather_kernel(ids_hbm, table_hbm, out_hbm, idx_v, rows_v, sem):
        wid = lax.axis_index("s") * _NC + lax.axis_index("c")
        base = wid * per_w
        pltpu.sync_copy(ids_hbm.at[pl.ds(wid * n_g, n_g)], idx_v)

        def group_body(g, _):
            copies = []
            for j in range(_GROUP):
                cp = pltpu.make_async_copy(
                    table_hbm.at[idx_v.at[g * _GROUP + j]],
                    rows_v.at[pl.ds(j * _G, _G)],
                    sem,
                )
                cp.start()
                copies.append(cp)
            for cp in copies:
                cp.wait()
            pltpu.sync_copy(rows_v, out_hbm.at[pl.ds(base + g * _ROWS, _ROWS)])
            return 0

        lax.fori_loop(0, n_groups, group_body, 0)

    return gather_kernel(ids2d, table)


def _mlp_body(x_ref, w1_ref, w2_ref, o_ref):
    h = jnp.dot(x_ref[...], w1_ref[...], preferred_element_type=jnp.float32)
    h = 0.5 * h * (1.0 + lax.erf(h * 0.7071067811865476))
    o_ref[...] = jnp.dot(h, w2_ref[...], preferred_element_type=jnp.float32)


def _mlp_tc(sym, W1, W2, blk=2048):
    n = sym.shape[0]
    return pl.pallas_call(
        _mlp_body,
        grid=(n // blk,),
        in_specs=[
            pl.BlockSpec((blk, D_SYM), lambda i: (i, 0)),
            pl.BlockSpec((D_SYM, D_MODEL), lambda i: (0, 0)),
            pl.BlockSpec((D_MODEL, D_MODEL), lambda i: (0, 0)),
        ],
        out_specs=pl.BlockSpec((blk, D_MODEL), lambda i: (i, 0)),
        out_shape=jax.ShapeDtypeStruct((n, D_MODEL), jnp.float32),
    )(sym, W1, W2)


def kernel(token_ids, embed_table, W1, W2):
    B, L = token_ids.shape
    n = B * L
    ids2d = token_ids.reshape(n // _G, _G).astype(jnp.int32)
    sym = _gather_sc(embed_table, ids2d, n)
    out = _mlp_tc(sym, W1, W2)
    return out.reshape(B, L, D_MODEL)

# --- scband reference (transcript-rebuilt; emitter-appended) ---
"""Pipeline reference for scband-symbol-generator-49778670960943 (READ-ONLY COPY).

The authoritative reference and input builder live on the scoring server;
editing this copy changes nothing except your own understanding.
"""

import jax, jax.numpy as jnp
import numpy as np

VOCAB = 1000000
D_SYM = 64
D_MODEL = 128
B = 16384
L = 50


def setup_inputs(seed: int = 0) -> dict:
    key = jax.random.key(seed)
    k1, k2, k3, k4 = jax.random.split(key, 4)
    token_ids = jax.random.randint(k1, (B, L), 0, VOCAB)
    embed_table = jax.random.normal(k2, (VOCAB, D_SYM), dtype=jnp.float32) * 0.02
    W1 = jax.random.normal(k3, (D_SYM, D_MODEL), dtype=jnp.float32) * 0.05
    W2 = jax.random.normal(k4, (D_MODEL, D_MODEL), dtype=jnp.float32) * 0.05
    return {"token_ids": token_ids, "embed_table": embed_table, "W1": W1, "W2": W2}


def reference(token_ids, embed_table, W1, W2):
    # nn.Embedding lookup -> gather rows from table
    sym = jnp.take(embed_table, token_ids, axis=0)  # [B, L, d_sym]
    # Linear(d_sym, d_model, bias=False) -> GELU (torch default: exact erf) -> Linear(d_model, d_model, bias=False)
    h = sym @ W1
    h = jax.nn.gelu(h, approximate=False)
    out = h @ W2
    return out

if __name__ == "__main__":
    import jax
    _d = setup_inputs()
    print(jax.jit(kernel)(*tuple(_d.values())))

</pallas_src>

<mosaic_0001>
#map = affine_map<(d0, d1) -> (0, 0)>
module attributes {stable_mosaic.version = 14 : i64} {
  func.func @gather_kernel(%arg0: i32, %arg1: i32, %arg2: memref<6400x128xi32, #tpu.memory_space<hbm>>, %arg3: memref<1000000x64xf32, #tpu.memory_space<hbm>>, %arg4: memref<819200x64xf32, #tpu.memory_space<hbm>>, %arg5: memref<200x128xi32, #tpu.memory_space<vmem>>, %arg6: memref<1024x64xf32, #tpu.memory_space<vmem>>, %arg7: memref<!tpu.dma_semaphore, #tpu.memory_space<semaphore_mem>>) attributes {dimension_semantics = [#tpu.dimension_semantics<core_parallel>, #tpu.dimension_semantics<subcore_parallel>], iteration_bounds = array<i64: 2, 16>, scalar_prefetch = 0 : i64, scratch_operands = 3 : i64, tpu.core_type = #tpu.core_type<sc_vector_subcore>, window_params = [{transform_indices = #map}, {transform_indices = #map}, {transform_indices = #map}]} {
    %mul3A = arith.constant 2 : i32
    %mul3A_0 = arith.muli %arg1, %mul3A : i32
    %add3A = arith.addi %mul3A_0, %arg0 : i32
    %mul3A_1 = arith.constant 25600 : i32
    %mul3A_2 = arith.muli %add3A, %mul3A_1 : i32
    %mul3A_3 = arith.constant 200 : i32
    %mul3A_4 = arith.muli %add3A, %mul3A_3 : i32
    "tpu.region"() ({
      %run_scoped3A = tpu.sem_alloc : memref<!tpu.dma_semaphore, #tpu.memory_space<semaphore_mem>>
      %dma_start3A = arith.constant 0 : i32
      %dma_start3A_11 = tpu.memref_slice %arg2[%mul3A_4, %dma_start3A] : memref<6400x128xi32, #tpu.memory_space<hbm>> -> memref<200x128xi32, #tpu.memory_space<hbm>>
      %dma_start3A_12 = arith.constant 0 : i32
      %dma_start3A_13 = tpu.memref_slice %arg2[%mul3A_4, %dma_start3A_12] : memref<6400x128xi32, #tpu.memory_space<hbm>> -> memref<200x128xi32, #tpu.memory_space<hbm>>
      tpu.enqueue_dma source(%dma_start3A_13 : memref<200x128xi32, #tpu.memory_space<hbm>>) target(%arg5 : memref<200x128xi32, #tpu.memory_space<vmem>>) target_semaphore(%run_scoped3A : memref<!tpu.dma_semaphore, #tpu.memory_space<semaphore_mem>>)
      %dma_wait3A = arith.constant 0 : i32
      %dma_wait3A_14 = tpu.memref_slice %arg2[%mul3A_4, %dma_wait3A] : memref<6400x128xi32, #tpu.memory_space<hbm>> -> memref<200x128xi32, #tpu.memory_space<hbm>>
      %dma_wait3A_15 = arith.constant 0 : i32
      %dma_wait3A_16 = tpu.memref_slice %arg2[%mul3A_4, %dma_wait3A_15] : memref<6400x128xi32, #tpu.memory_space<hbm>> -> memref<200x128xi32, #tpu.memory_space<hbm>>
      tpu.wait_dma2 semaphore(%run_scoped3A : memref<!tpu.dma_semaphore, #tpu.memory_space<semaphore_mem>>) src(%dma_wait3A_16 : memref<200x128xi32, #tpu.memory_space<hbm>>) dst(%arg5 : memref<200x128xi32, #tpu.memory_space<vmem>>)
      tpu.yield
    }) : () -> ()
    %scan3A = arith.constant 0 : i32
    %scan3A_5 = arith.constant 0 : i32
    %scan3A_6 = arith.constant 25 : i32
    %scan3A_7 = arith.addi %scan3A_5, %scan3A_6 : i32
    %scan3A_8 = arith.constant 1 : i32
    %scan3A_9 = scf.for %scan3A_11 = %scan3A_5 to %scan3A_7 step %scan3A_8 iter_args(%scan3A_12 = %scan3A) -> (i32)  : i32 {
      %mul3A_13 = arith.constant 8 : i32
      %mul3A_14 = arith.muli %scan3A_11, %mul3A_13 : i32
      %add3A_15 = arith.constant 0 : i32
      %add3A_16 = arith.addi %mul3A_14, %add3A_15 : i32
      %dma_start3A = arith.constant 0 : i32
      %dma_start3A_17 = arith.constant 0 : i32
      %dma_start3A_18 = tpu.memref_slice %arg6[%dma_start3A, %dma_start3A_17] : memref<1024x64xf32, #tpu.memory_space<vmem>> -> memref<128x64xf32, #tpu.memory_space<vmem>>
      %dma_start3A_19 = arith.constant 0 : i32
      %dma_start3A_20 = tpu.memref_slice %arg5[%add3A_16, %dma_start3A_19] : memref<200x128xi32, #tpu.memory_space<vmem>> -> memref<1x128xi32, #tpu.memory_space<vmem>>
      %dma_start3A_21 = tpu.memref_squeeze %dma_start3A_20 : memref<1x128xi32, #tpu.memory_space<vmem>> -> memref<128xi32, #tpu.memory_space<vmem>>
      %dma_start3A_22 = arith.constant 0 : i32
      %dma_start3A_23 = arith.constant 0 : i32
      %dma_start3A_24 = tpu.memref_slice %arg3[%dma_start3A_22, %dma_start3A_23] : memref<1000000x64xf32, #tpu.memory_space<hbm>> -> memref<1000000x64xf32, #tpu.memory_space<hbm>>
      tpu.enqueue_indirect_dma source(%dma_start3A_24 : memref<1000000x64xf32, #tpu.memory_space<hbm>>) target(%dma_start3A_18 : memref<128x64xf32, #tpu.memory_space<vmem>>) offsets(%dma_start3A_21 : memref<128xi32, #tpu.memory_space<vmem>>) semaphore(%arg7 : memref<!tpu.dma_semaphore, #tpu.memory_space<semaphore_mem>>)
      %mul3A_25 = arith.constant 8 : i32
      %mul3A_26 = arith.muli %scan3A_11, %mul3A_25 : i32
      %add3A_27 = arith.constant 1 : i32
      %add3A_28 = arith.addi %mul3A_26, %add3A_27 : i32
      %dma_start3A_29 = arith.constant 128 : i32
      %dma_start3A_30 = arith.constant 0 : i32
      %dma_start3A_31 = tpu.memref_slice %arg6[%dma_start3A_29, %dma_start3A_30] : memref<1024x64xf32, #tpu.memory_space<vmem>> -> memref<128x64xf32, #tpu.memory_space<vmem>>
      %dma_start3A_32 = arith.constant 0 : i32
      %dma_start3A_33 = tpu.memref_slice %arg5[%add3A_28, %dma_start3A_32] : memref<200x128xi32, #tpu.memory_space<vmem>> -> memref<1x128xi32, #tpu.memory_space<vmem>>
      %dma_start3A_34 = tpu.memref_squeeze %dma_start3A_33 : memref<1x128xi32, #tpu.memory_space<vmem>> -> memref<128xi32, #tpu.memory_space<vmem>>
      %dma_start3A_35 = arith.constant 0 : i32
      %dma_start3A_36 = arith.constant 0 : i32
      %dma_start3A_37 = tpu.memref_slice %arg3[%dma_start3A_35, %dma_start3A_36] : memref<1000000x64xf32, #tpu.memory_space<hbm>> -> memref<1000000x64xf32, #tpu.memory_space<hbm>>
      tpu.enqueue_indirect_dma source(%dma_start3A_37 : memref<1000000x64xf32, #tpu.memory_space<hbm>>) target(%dma_start3A_31 : memref<128x64xf32, #tpu.memory_space<vmem>>) offsets(%dma_start3A_34 : memref<128xi32, #tpu.memory_space<vmem>>) semaphore(%arg7 : memref<!tpu.dma_semaphore, #tpu.memory_space<semaphore_mem>>)
      %mul3A_38 = arith.constant 8 : i32
      %mul3A_39 = arith.muli %scan3A_11, %mul3A_38 : i32
      %add3A_40 = arith.constant 2 : i32
      %add3A_41 = arith.addi %mul3A_39, %add3A_40 : i32
      %dma_start3A_42 = arith.constant 256 : i32
      %dma_start3A_43 = arith.constant 0 : i32
      %dma_start3A_44 = tpu.memref_slice %arg6[%dma_start3A_42, %dma_start3A_43] : memref<1024x64xf32, #tpu.memory_space<vmem>> -> memref<128x64xf32, #tpu.memory_space<vmem>>
      %dma_start3A_45 = arith.constant 0 : i32
      %dma_start3A_46 = tpu.memref_slice %arg5[%add3A_41, %dma_start3A_45] : memref<200x128xi32, #tpu.memory_space<vmem>> -> memref<1x128xi32, #tpu.memory_space<vmem>>
      %dma_start3A_47 = tpu.memref_squeeze %dma_start3A_46 : memref<1x128xi32, #tpu.memory_space<vmem>> -> memref<128xi32, #tpu.memory_space<vmem>>
      %dma_start3A_48 = arith.constant 0 : i32
      %dma_start3A_49 = arith.constant 0 : i32
      %dma_start3A_50 = tpu.memref_slice %arg3[%dma_start3A_48, %dma_start3A_49] : memref<1000000x64xf32, #tpu.memory_space<hbm>> -> memref<1000000x64xf32, #tpu.memory_space<hbm>>
      tpu.enqueue_indirect_dma source(%dma_start3A_50 : memref<1000000x64xf32, #tpu.memory_space<hbm>>) target(%dma_start3A_44 : memref<128x64xf32, #tpu.memory_space<vmem>>) offsets(%dma_start3A_47 : memref<128xi32, #tpu.memory_space<vmem>>) semaphore(%arg7 : memref<!tpu.dma_semaphore, #tpu.memory_space<semaphore_mem>>)
      %mul3A_51 = arith.constant 8 : i32
      %mul3A_52 = arith.muli %scan3A_11, %mul3A_51 : i32
      %add3A_53 = arith.constant 3 : i32
      %add3A_54 = arith.addi %mul3A_52, %add3A_53 : i32
      %dma_start3A_55 = arith.constant 384 : i32
      %dma_start3A_56 = arith.constant 0 : i32
      %dma_start3A_57 = tpu.memref_slice %arg6[%dma_start3A_55, %dma_start3A_56] : memref<1024x64xf32, #tpu.memory_space<vmem>> -> memref<128x64xf32, #tpu.memory_space<vmem>>
      %dma_start3A_58 = arith.constant 0 : i32
      %dma_start3A_59 = tpu.memref_slice %arg5[%add3A_54, %dma_start3A_58] : memref<200x128xi32, #tpu.memory_space<vmem>> -> memref<1x128xi32, #tpu.memory_space<vmem>>
      %dma_start3A_60 = tpu.memref_squeeze %dma_start3A_59 : memref<1x128xi32, #tpu.memory_space<vmem>> -> memref<128xi32, #tpu.memory_space<vmem>>
      %dma_start3A_61 = arith.constant 0 : i32
      %dma_start3A_62 = arith.constant 0 : i32
      %dma_start3A_63 = tpu.memref_slice %arg3[%dma_start3A_61, %dma_start3A_62] : memref<1000000x64xf32, #tpu.memory_space<hbm>> -> memref<1000000x64xf32, #tpu.memory_space<hbm>>
      tpu.enqueue_indirect_dma source(%dma_start3A_63 : memref<1000000x64xf32, #tpu.memory_space<hbm>>) target(%dma_start3A_57 : memref<128x64xf32, #tpu.memory_space<vmem>>) offsets(%dma_start3A_60 : memref<128xi32, #tpu.memory_space<vmem>>) semaphore(%arg7 : memref<!tpu.dma_semaphore, #tpu.memory_space<semaphore_mem>>)
      %mul3A_64 = arith.constant 8 : i32
      %mul3A_65 = arith.muli %scan3A_11, %mul3A_64 : i32
      %add3A_66 = arith.constant 4 : i32
      %add3A_67 = arith.addi %mul3A_65, %add3A_66 : i32
      %dma_start3A_68 = arith.constant 512 : i32
      %dma_start3A_69 = arith.constant 0 : i32
      %dma_start3A_70 = tpu.memref_slice %arg6[%dma_start3A_68, %dma_start3A_69] : memref<1024x64xf32, #tpu.memory_space<vmem>> -> memref<128x64xf32, #tpu.memory_space<vmem>>
      %dma_start3A_71 = arith.constant 0 : i32
      %dma_start3A_72 = tpu.memref_slice %arg5[%add3A_67, %dma_start3A_71] : memref<200x128xi32, #tpu.memory_space<vmem>> -> memref<1x128xi32, #tpu.memory_space<vmem>>
      %dma_start3A_73 = tpu.memref_squeeze %dma_start3A_72 : memref<1x128xi32, #tpu.memory_space<vmem>> -> memref<128xi32, #tpu.memory_space<vmem>>
      %dma_start3A_74 = arith.constant 0 : i32
      %dma_start3A_75 = arith.constant 0 : i32
      %dma_start3A_76 = tpu.memref_slice %arg3[%dma_start3A_74, %dma_start3A_75] : memref<1000000x64xf32, #tpu.memory_space<hbm>> -> memref<1000000x64xf32, #tpu.memory_space<hbm>>
      tpu.enqueue_indirect_dma source(%dma_start3A_76 : memref<1000000x64xf32, #tpu.memory_space<hbm>>) target(%dma_start3A_70 : memref<128x64xf32, #tpu.memory_space<vmem>>) offsets(%dma_start3A_73 : memref<128xi32, #tpu.memory_space<vmem>>) semaphore(%arg7 : memref<!tpu.dma_semaphore, #tpu.memory_space<semaphore_mem>>)
      %mul3A_77 = arith.constant 8 : i32
      %mul3A_78 = arith.muli %scan3A_11, %mul3A_77 : i32
      %add3A_79 = arith.constant 5 : i32
      %add3A_80 = arith.addi %mul3A_78, %add3A_79 : i32
      %dma_start3A_81 = arith.constant 640 : i32
      %dma_start3A_82 = arith.constant 0 : i32
      %dma_start3A_83 = tpu.memref_slice %arg6[%dma_start3A_81, %dma_start3A_82] : memref<1024x64xf32, #tpu.memory_space<vmem>> -> memref<128x64xf32, #tpu.memory_space<vmem>>
      %dma_start3A_84 = arith.constant 0 : i32
      %dma_start3A_85 = tpu.memref_slice %arg5[%add3A_80, %dma_start3A_84] : memref<200x128xi32, #tpu.memory_space<vmem>> -> memref<1x128xi32, #tpu.memory_space<vmem>>
      %dma_start3A_86 = tpu.memref_squeeze %dma_start3A_85 : memref<1x128xi32, #tpu.memory_space<vmem>> -> memref<128xi32, #tpu.memory_space<vmem>>
      %dma_start3A_87 = arith.constant 0 : i32
      %dma_start3A_88 = arith.constant 0 : i32
      %dma_start3A_89 = tpu.memref_slice %arg3[%dma_start3A_87, %dma_start3A_88] : memref<1000000x64xf32, #tpu.memory_space<hbm>> -> memref<1000000x64xf32, #tpu.memory_space<hbm>>
      tpu.enqueue_indirect_dma source(%dma_start3A_89 : memref<1000000x64xf32, #tpu.memory_space<hbm>>) target(%dma_start3A_83 : memref<128x64xf32, #tpu.memory_space<vmem>>) offsets(%dma_start3A_86 : memref<128xi32, #tpu.memory_space<vmem>>) semaphore(%arg7 : memref<!tpu.dma_semaphore, #tpu.memory_space<semaphore_mem>>)
      %mul3A_90 = arith.constant 8 : i32
      %mul3A_91 = arith.muli %scan3A_11, %mul3A_90 : i32
      %add3A_92 = arith.constant 6 : i32
      %add3A_93 = arith.addi %mul3A_91, %add3A_92 : i32
      %dma_start3A_94 = arith.constant 768 : i32
      %dma_start3A_95 = arith.constant 0 : i32
      %dma_start3A_96 = tpu.memref_slice %arg6[%dma_start3A_94, %dma_start3A_95] : memref<1024x64xf32, #tpu.memory_space<vmem>> -> memref<128x64xf32, #tpu.memory_space<vmem>>
      %dma_start3A_97 = arith.constant 0 : i32
      %dma_start3A_98 = tpu.memref_slice %arg5[%add3A_93, %dma_start3A_97] : memref<200x128xi32, #tpu.memory_space<vmem>> -> memref<1x128xi32, #tpu.memory_space<vmem>>
      %dma_start3A_99 = tpu.memref_squeeze %dma_start3A_98 : memref<1x128xi32, #tpu.memory_space<vmem>> -> memref<128xi32, #tpu.memory_space<vmem>>
      %dma_start3A_100 = arith.constant 0 : i32
      %dma_start3A_101 = arith.constant 0 : i32
      %dma_start3A_102 = tpu.memref_slice %arg3[%dma_start3A_100, %dma_start3A_101] : memref<1000000x64xf32, #tpu.memory_space<hbm>> -> memref<1000000x64xf32, #tpu.memory_space<hbm>>
      tpu.enqueue_indirect_dma source(%dma_start3A_102 : memref<1000000x64xf32, #tpu.memory_space<hbm>>) target(%dma_start3A_96 : memref<128x64xf32, #tpu.memory_space<vmem>>) offsets(%dma_start3A_99 : memref<128xi32, #tpu.memory_space<vmem>>) semaphore(%arg7 : memref<!tpu.dma_semaphore, #tpu.memory_space<semaphore_mem>>)
      %mul3A_103 = arith.constant 8 : i32
      %mul3A_104 = arith.muli %scan3A_11, %mul3A_103 : i32
      %add3A_105 = arith.constant 7 : i32
      %add3A_106 = arith.addi %mul3A_104, %add3A_105 : i32
      %dma_start3A_107 = arith.constant 896 : i32
      %dma_start3A_108 = arith.constant 0 : i32
      %dma_start3A_109 = tpu.memref_slice %arg6[%dma_start3A_107, %dma_start3A_108] : memref<1024x64xf32, #tpu.memory_space<vmem>> -> memref<128x64xf32, #tpu.memory_space<vmem>>
      %dma_start3A_110 = arith.constant 0 : i32
      %dma_start3A_111 = tpu.memref_slice %arg5[%add3A_106, %dma_start3A_110] : memref<200x128xi32, #tpu.memory_space<vmem>> -> memref<1x128xi32, #tpu.memory_space<vmem>>
      %dma_start3A_112 = tpu.memref_squeeze %dma_start3A_111 : memref<1x128xi32, #tpu.memory_space<vmem>> -> memref<128xi32, #tpu.memory_space<vmem>>
      %dma_start3A_113 = arith.constant 0 : i32
      %dma_start3A_114 = arith.constant 0 : i32
      %dma_start3A_115 = tpu.memref_slice %arg3[%dma_start3A_113, %dma_start3A_114] : memref<1000000x64xf32, #tpu.memory_space<hbm>> -> memref<1000000x64xf32, #tpu.memory_space<hbm>>
      tpu.enqueue_indirect_dma source(%dma_start3A_115 : memref<1000000x64xf32, #tpu.memory_space<hbm>>) target(%dma_start3A_109 : memref<128x64xf32, #tpu.memory_space<vmem>>) offsets(%dma_start3A_112 : memref<128xi32, #tpu.memory_space<vmem>>) semaphore(%arg7 : memref<!tpu.dma_semaphore, #tpu.memory_space<semaphore_mem>>)
      %dma_wait3A = arith.constant 0 : i32
      %dma_wait3A_116 = arith.constant 0 : i32
      %dma_wait3A_117 = tpu.memref_slice %arg6[%dma_wait3A, %dma_wait3A_116] : memref<1024x64xf32, #tpu.memory_space<vmem>> -> memref<128x64xf32, #tpu.memory_space<vmem>>
      %dma_wait3A_118 = arith.constant 0 : i32
      %dma_wait3A_119 = tpu.memref_slice %arg5[%add3A_16, %dma_wait3A_118] : memref<200x128xi32, #tpu.memory_space<vmem>> -> memref<1x128xi32, #tpu.memory_space<vmem>>
      %dma_wait3A_120 = tpu.memref_squeeze %dma_wait3A_119 : memref<1x128xi32, #tpu.memory_space<vmem>> -> memref<128xi32, #tpu.memory_space<vmem>>
      %dma_wait3A_121 = arith.constant 0 : i32
      %dma_wait3A_122 = arith.constant 0 : i32
      %dma_wait3A_123 = tpu.memref_slice %arg3[%dma_wait3A_121, %dma_wait3A_122] : memref<1000000x64xf32, #tpu.memory_space<hbm>> -> memref<1000000x64xf32, #tpu.memory_space<hbm>>
      tpu.wait_indirect_dma semaphore(%arg7 : memref<!tpu.dma_semaphore, #tpu.memory_space<semaphore_mem>>) src(%dma_wait3A_123 : memref<1000000x64xf32, #tpu.memory_space<hbm>>) dst(%dma_wait3A_117 : memref<128x64xf32, #tpu.memory_space<vmem>>)
      %dma_wait3A_124 = arith.constant 128 : i32
      %dma_wait3A_125 = arith.constant 0 : i32
      %dma_wait3A_126 = tpu.memref_slice %arg6[%dma_wait3A_124, %dma_wait3A_125] : memref<1024x64xf32, #tpu.memory_space<vmem>> -> memref<128x64xf32, #tpu.memory_space<vmem>>
      %dma_wait3A_127 = arith.constant 0 : i32
      %dma_wait3A_128 = tpu.memref_slice %arg5[%add3A_28, %dma_wait3A_127] : memref<200x128xi32, #tpu.memory_space<vmem>> -> memref<1x128xi32, #tpu.memory_space<vmem>>
      %dma_wait3A_129 = tpu.memref_squeeze %dma_wait3A_128 : memref<1x128xi32, #tpu.memory_space<vmem>> -> memref<128xi32, #tpu.memory_space<vmem>>
      %dma_wait3A_130 = arith.constant 0 : i32
      %dma_wait3A_131 = arith.constant 0 : i32
      %dma_wait3A_132 = tpu.memref_slice %arg3[%dma_wait3A_130, %dma_wait3A_131] : memref<1000000x64xf32, #tpu.memory_space<hbm>> -> memref<1000000x64xf32, #tpu.memory_space<hbm>>
      tpu.wait_indirect_dma semaphore(%arg7 : memref<!tpu.dma_semaphore, #tpu.memory_space<semaphore_mem>>) src(%dma_wait3A_132 : memref<1000000x64xf32, #tpu.memory_space<hbm>>) dst(%dma_wait3A_126 : memref<128x64xf32, #tpu.memory_space<vmem>>)
      %dma_wait3A_133 = arith.constant 256 : i32
      %dma_wait3A_134 = arith.constant 0 : i32
      %dma_wait3A_135 = tpu.memref_slice %arg6[%dma_wait3A_133, %dma_wait3A_134] : memref<1024x64xf32, #tpu.memory_space<vmem>> -> memref<128x64xf32, #tpu.memory_space<vmem>>
      %dma_wait3A_136 = arith.constant 0 : i32
      %dma_wait3A_137 = tpu.memref_slice %arg5[%add3A_41, %dma_wait3A_136] : memref<200x128xi32, #tpu.memory_space<vmem>> -> memref<1x128xi32, #tpu.memory_space<vmem>>
      %dma_wait3A_138 = tpu.memref_squeeze %dma_wait3A_137 : memref<1x128xi32, #tpu.memory_space<vmem>> -> memref<128xi32, #tpu.memory_space<vmem>>
      %dma_wait3A_139 = arith.constant 0 : i32
      %dma_wait3A_140 = arith.constant 0 : i32
      %dma_wait3A_141 = tpu.memref_slice %arg3[%dma_wait3A_139, %dma_wait3A_140] : memref<1000000x64xf32, #tpu.memory_space<hbm>> -> memref<1000000x64xf32, #tpu.memory_space<hbm>>
      tpu.wait_indirect_dma semaphore(%arg7 : memref<!tpu.dma_semaphore, #tpu.memory_space<semaphore_mem>>) src(%dma_wait3A_141 : memref<1000000x64xf32, #tpu.memory_space<hbm>>) dst(%dma_wait3A_135 : memref<128x64xf32, #tpu.memory_space<vmem>>)
      %dma_wait3A_142 = arith.constant 384 : i32
      %dma_wait3A_143 = arith.constant 0 : i32
      %dma_wait3A_144 = tpu.memref_slice %arg6[%dma_wait3A_142, %dma_wait3A_143] : memref<1024x64xf32, #tpu.memory_space<vmem>> -> memref<128x64xf32, #tpu.memory_space<vmem>>
      %dma_wait3A_145 = arith.constant 0 : i32
      %dma_wait3A_146 = tpu.memref_slice %arg5[%add3A_54, %dma_wait3A_145] : memref<200x128xi32, #tpu.memory_space<vmem>> -> memref<1x128xi32, #tpu.memory_space<vmem>>
      %dma_wait3A_147 = tpu.memref_squeeze %dma_wait3A_146 : memref<1x128xi32, #tpu.memory_space<vmem>> -> memref<128xi32, #tpu.memory_space<vmem>>
      %dma_wait3A_148 = arith.constant 0 : i32
      %dma_wait3A_149 = arith.constant 0 : i32
      %dma_wait3A_150 = tpu.memref_slice %arg3[%dma_wait3A_148, %dma_wait3A_149] : memref<1000000x64xf32, #tpu.memory_space<hbm>> -> memref<1000000x64xf32, #tpu.memory_space<hbm>>
      tpu.wait_indirect_dma semaphore(%arg7 : memref<!tpu.dma_semaphore, #tpu.memory_space<semaphore_mem>>) src(%dma_wait3A_150 : memref<1000000x64xf32, #tpu.memory_space<hbm>>) dst(%dma_wait3A_144 : memref<128x64xf32, #tpu.memory_space<vmem>>)
      %dma_wait3A_151 = arith.constant 512 : i32
      %dma_wait3A_152 = arith.constant 0 : i32
      %dma_wait3A_153 = tpu.memref_slice %arg6[%dma_wait3A_151, %dma_wait3A_152] : memref<1024x64xf32, #tpu.memory_space<vmem>> -> memref<128x64xf32, #tpu.memory_space<vmem>>
      %dma_wait3A_154 = arith.constant 0 : i32
      %dma_wait3A_155 = tpu.memref_slice %arg5[%add3A_67, %dma_wait3A_154] : memref<200x128xi32, #tpu.memory_space<vmem>> -> memref<1x128xi32, #tpu.memory_space<vmem>>
      %dma_wait3A_156 = tpu.memref_squeeze %dma_wait3A_155 : memref<1x128xi32, #tpu.memory_space<vmem>> -> memref<128xi32, #tpu.memory_space<vmem>>
      %dma_wait3A_157 = arith.constant 0 : i32
      %dma_wait3A_158 = arith.constant 0 : i32
      %dma_wait3A_159 = tpu.memref_slice %arg3[%dma_wait3A_157, %dma_wait3A_158] : memref<1000000x64xf32, #tpu.memory_space<hbm>> -> memref<1000000x64xf32, #tpu.memory_space<hbm>>
      tpu.wait_indirect_dma semaphore(%arg7 : memref<!tpu.dma_semaphore, #tpu.memory_space<semaphore_mem>>) src(%dma_wait3A_159 : memref<1000000x64xf32, #tpu.memory_space<hbm>>) dst(%dma_wait3A_153 : memref<128x64xf32, #tpu.memory_space<vmem>>)
      %dma_wait3A_160 = arith.constant 640 : i32
      %dma_wait3A_161 = arith.constant 0 : i32
      %dma_wait3A_162 = tpu.memref_slice %arg6[%dma_wait3A_160, %dma_wait3A_161] : memref<1024x64xf32, #tpu.memory_space<vmem>> -> memref<128x64xf32, #tpu.memory_space<vmem>>
      %dma_wait3A_163 = arith.constant 0 : i32
      %dma_wait3A_164 = tpu.memref_slice %arg5[%add3A_80, %dma_wait3A_163] : memref<200x128xi32, #tpu.memory_space<vmem>> -> memref<1x128xi32, #tpu.memory_space<vmem>>
      %dma_wait3A_165 = tpu.memref_squeeze %dma_wait3A_164 : memref<1x128xi32, #tpu.memory_space<vmem>> -> memref<128xi32, #tpu.memory_space<vmem>>
      %dma_wait3A_166 = arith.constant 0 : i32
      %dma_wait3A_167 = arith.constant 0 : i32
      %dma_wait3A_168 = tpu.memref_slice %arg3[%dma_wait3A_166, %dma_wait3A_167] : memref<1000000x64xf32, #tpu.memory_space<hbm>> -> memref<1000000x64xf32, #tpu.memory_space<hbm>>
      tpu.wait_indirect_dma semaphore(%arg7 : memref<!tpu.dma_semaphore, #tpu.memory_space<semaphore_mem>>) src(%dma_wait3A_168 : memref<1000000x64xf32, #tpu.memory_space<hbm>>) dst(%dma_wait3A_162 : memref<128x64xf32, #tpu.memory_space<vmem>>)
      %dma_wait3A_169 = arith.constant 768 : i32
      %dma_wait3A_170 = arith.constant 0 : i32
      %dma_wait3A_171 = tpu.memref_slice %arg6[%dma_wait3A_169, %dma_wait3A_170] : memref<1024x64xf32, #tpu.memory_space<vmem>> -> memref<128x64xf32, #tpu.memory_space<vmem>>
      %dma_wait3A_172 = arith.constant 0 : i32
      %dma_wait3A_173 = tpu.memref_slice %arg5[%add3A_93, %dma_wait3A_172] : memref<200x128xi32, #tpu.memory_space<vmem>> -> memref<1x128xi32, #tpu.memory_space<vmem>>
      %dma_wait3A_174 = tpu.memref_squeeze %dma_wait3A_173 : memref<1x128xi32, #tpu.memory_space<vmem>> -> memref<128xi32, #tpu.memory_space<vmem>>
      %dma_wait3A_175 = arith.constant 0 : i32
      %dma_wait3A_176 = arith.constant 0 : i32
      %dma_wait3A_177 = tpu.memref_slice %arg3[%dma_wait3A_175, %dma_wait3A_176] : memref<1000000x64xf32, #tpu.memory_space<hbm>> -> memref<1000000x64xf32, #tpu.memory_space<hbm>>
      tpu.wait_indirect_dma semaphore(%arg7 : memref<!tpu.dma_semaphore, #tpu.memory_space<semaphore_mem>>) src(%dma_wait3A_177 : memref<1000000x64xf32, #tpu.memory_space<hbm>>) dst(%dma_wait3A_171 : memref<128x64xf32, #tpu.memory_space<vmem>>)
      %dma_wait3A_178 = arith.constant 896 : i32
      %dma_wait3A_179 = arith.constant 0 : i32
      %dma_wait3A_180 = tpu.memref_slice %arg6[%dma_wait3A_178, %dma_wait3A_179] : memref<1024x64xf32, #tpu.memory_space<vmem>> -> memref<128x64xf32, #tpu.memory_space<vmem>>
      %dma_wait3A_181 = arith.constant 0 : i32
      %dma_wait3A_182 = tpu.memref_slice %arg5[%add3A_106, %dma_wait3A_181] : memref<200x128xi32, #tpu.memory_space<vmem>> -> memref<1x128xi32, #tpu.memory_space<vmem>>
      %dma_wait3A_183 = tpu.memref_squeeze %dma_wait3A_182 : memref<1x128xi32, #tpu.memory_space<vmem>> -> memref<128xi32, #tpu.memory_space<vmem>>
      %dma_wait3A_184 = arith.constant 0 : i32
      %dma_wait3A_185 = arith.constant 0 : i32
      %dma_wait3A_186 = tpu.memref_slice %arg3[%dma_wait3A_184, %dma_wait3A_185] : memref<1000000x64xf32, #tpu.memory_space<hbm>> -> memref<1000000x64xf32, #tpu.memory_space<hbm>>
      tpu.wait_indirect_dma semaphore(%arg7 : memref<!tpu.dma_semaphore, #tpu.memory_space<semaphore_mem>>) src(%dma_wait3A_186 : memref<1000000x64xf32, #tpu.memory_space<hbm>>) dst(%dma_wait3A_180 : memref<128x64xf32, #tpu.memory_space<vmem>>)
      %mul3A_187 = arith.constant 1024 : i32
      %mul3A_188 = arith.muli %scan3A_11, %mul3A_187 : i32
      %add3A_189 = arith.addi %mul3A_2, %mul3A_188 : i32
      "tpu.region"() ({
        %run_scoped3A = tpu.sem_alloc : memref<!tpu.dma_semaphore, #tpu.memory_space<semaphore_mem>>
        %dma_start3A_191 = arith.constant 0 : i32
        %dma_start3A_192 = tpu.memref_slice %arg4[%add3A_189, %dma_start3A_191] : memref<819200x64xf32, #tpu.memory_space<hbm>> -> memref<1024x64xf32, #tpu.memory_space<hbm>>
        %dma_start3A_193 = arith.constant 0 : i32
        %dma_start3A_194 = tpu.memref_slice %arg4[%add3A_189, %dma_start3A_193] : memref<819200x64xf32, #tpu.memory_space<hbm>> -> memref<1024x64xf32, #tpu.memory_space<hbm>>
        tpu.enqueue_dma source(%arg6 : memref<1024x64xf32, #tpu.memory_space<vmem>>) target(%dma_start3A_194 : memref<1024x64xf32, #tpu.memory_space<hbm>>) target_semaphore(%run_scoped3A : memref<!tpu.dma_semaphore, #tpu.memory_space<semaphore_mem>>)
        %dma_wait3A_195 = arith.constant 0 : i32
        %dma_wait3A_196 = tpu.memref_slice %arg4[%add3A_189, %dma_wait3A_195] : memref<819200x64xf32, #tpu.memory_space<hbm>> -> memref<1024x64xf32, #tpu.memory_space<hbm>>
        %dma_wait3A_197 = arith.constant 0 : i32
        %dma_wait3A_198 = tpu.memref_slice %arg4[%add3A_189, %dma_wait3A_197] : memref<819200x64xf32, #tpu.memory_space<hbm>> -> memref<1024x64xf32, #tpu.memory_space<hbm>>
        tpu.wait_dma2 semaphore(%run_scoped3A : memref<!tpu.dma_semaphore, #tpu.memory_space<semaphore_mem>>) src(%arg6 : memref<1024x64xf32, #tpu.memory_space<vmem>>) dst(%dma_wait3A_198 : memref<1024x64xf32, #tpu.memory_space<hbm>>)
        tpu.yield
      }) : () -> ()
      %scan3A_190 = arith.constant 0 : i32
      scf.yield %scan3A_190 : i32
    }
    %scan3A_10 = arith.constant 25 : i32
    return
  }
}

module attributes {stable_mosaic.version = 14 : i64} {
  func.func @_mlp_body(%arg0: i32, %arg1: memref<2048x64xf32, #tpu.memory_space<vmem>>, %arg2: memref<64x128xf32, #tpu.memory_space<vmem>>, %arg3: memref<128x128xf32, #tpu.memory_space<vmem>>, %arg4: memref<2048x128xf32, #tpu.memory_space<vmem>>) attributes {dimension_semantics = [#tpu.dimension_semantics<arbitrary>], iteration_bounds = array<i64: 400>, scalar_prefetch = 0 : i64, scratch_operands = 0 : i64, tpu.core_type = #tpu.core_type<tc>, window_params = [{transform_indices = @transform_0, window_bounds = array<i64: 2048, 64>}, {pipeline_mode = #tpu.pipeline_mode<synchronous>, transform_indices = @transform_1, window_bounds = array<i64: 64, 128>}, {pipeline_mode = #tpu.pipeline_mode<synchronous>, transform_indices = @transform_2, window_bounds = array<i64: 128, 128>}, {transform_indices = @transform_3, window_bounds = array<i64: 2048, 128>}]} {
    %get3A = arith.constant 0 : index
    %get3A_0 = arith.constant 0 : index
    %get3A_1 = vector.load %arg1[%get3A, %get3A_0] : memref<2048x64xf32, #tpu.memory_space<vmem>>, vector<2048x64xf32>
    %get3A_2 = arith.constant 0 : index
    %get3A_3 = arith.constant 0 : index
    %get3A_4 = vector.load %arg2[%get3A_2, %get3A_3] : memref<64x128xf32, #tpu.memory_space<vmem>>, vector<64x128xf32>
    %dot_general3A = arith.constant dense<0.000000e+00> : vector<2048x128xf32>
    %dot_general3A_5 = tpu.matmul %get3A_1, %get3A_4, %dot_general3A {dimension_numbers = #tpu.dot_dimension_numbers<[1], [0], [0], [1], [0, 0, 1, 1], [], []>, transpose_lhs_hint = false} : vector<2048x64xf32>, vector<64x128xf32>, vector<2048x128xf32> -> vector<2048x128xf32>
    %mul3A = arith.constant 5.000000e-01 : f32
    %mul3A_6 = vector.broadcast %mul3A : f32 to vector<2048x128xf32>
    %mul3A_7 = arith.mulf %mul3A_6, %dot_general3A_5 : vector<2048x128xf32>
    %mul3A_8 = arith.constant 0.707106769 : f32
    %mul3A_9 = vector.broadcast %mul3A_8 : f32 to vector<2048x128xf32>
    %mul3A_10 = arith.mulf %dot_general3A_5, %mul3A_9 : vector<2048x128xf32>
    %erf3A = math.erf %mul3A_10 : vector<2048x128xf32>
    %add3A = arith.constant 1.000000e+00 : f32
    %add3A_11 = vector.broadcast %add3A : f32 to vector<2048x128xf32>
    %add3A_12 = arith.addf %add3A_11, %erf3A : vector<2048x128xf32>
    %mul3A_13 = arith.mulf %mul3A_7, %add3A_12 : vector<2048x128xf32>
    %get3A_14 = arith.constant 0 : index
    %get3A_15 = arith.constant 0 : index
    %get3A_16 = vector.load %arg3[%get3A_14, %get3A_15] : memref<128x128xf32, #tpu.memory_space<vmem>>, vector<128x128xf32>
    %dot_general3A_17 = arith.constant dense<0.000000e+00> : vector<2048x128xf32>
    %dot_general3A_18 = tpu.matmul %mul3A_13, %get3A_16, %dot_general3A_17 {dimension_numbers = #tpu.dot_dimension_numbers<[1], [0], [0], [1], [0, 0, 1, 1], [], []>, transpose_lhs_hint = false} : vector<2048x128xf32>, vector<128x128xf32>, vector<2048x128xf32> -> vector<2048x128xf32>
    %swap3A = arith.constant 0 : index
    %swap3A_19 = arith.constant 0 : index
    %swap3A_20 = vector.load %arg4[%swap3A, %swap3A_19] : memref<2048x128xf32, #tpu.memory_space<vmem>>, vector<2048x128xf32>
    tpu.vector_store %arg4[%swap3A, %swap3A_19], %dot_general3A_18 {strides = array<i32>} : memref<2048x128xf32, #tpu.memory_space<vmem>>, vector<2048x128xf32>,
    return
  }
  func.func @transform_0(%arg0: i32) -> (i32, i32) {
    %c0_i32 = arith.constant 0 : i32
    %c0_i32_0 = arith.constant 0 : i32
    return %arg0, %c0_i32 : i32, i32
  }
  func.func @transform_1(%arg0: i32) -> (i32, i32) {
    %c0_i32 = arith.constant 0 : i32
    %c0_i32_0 = arith.constant 0 : i32
    %c0_i32_1 = arith.constant 0 : i32
    return %c0_i32, %c0_i32_0 : i32, i32
  }
  func.func @transform_2(%arg0: i32) -> (i32, i32) {
    %c0_i32 = arith.constant 0 : i32
    %c0_i32_0 = arith.constant 0 : i32
    %c0_i32_1 = arith.constant 0 : i32
    return %c0_i32, %c0_i32_0 : i32, i32
  }
  func.func @transform_3(%arg0: i32) -> (i32, i32) {
    %c0_i32 = arith.constant 0 : i32
    %c0_i32_0 = arith.constant 0 : i32
    return %arg0, %c0_i32 : i32, i32
  }
}

</mosaic_0001>

<sc_bundles>
// kernel: kernel.4.cloned.1.call-start
scs
__scs_entry_jumppad:
0x0: {  	(pc) =	sbr.rel $0x88, $3  }
0x1: {  	(tag) =	ssettag $0x0;
	lr =	simm.s32 $0x1  }
0x2: {  	[smem:$0x3F9D] =	sst lr;
	_ =	strace $0xD0000000  }
0x3: {  	_ = 	snop  }
0x4: {  	_ = 	snop  }
0x5: {  	_ = 	snop  }
0x6: {  	_ = 	snop  }
0x7: {  	_ = 	snop  }
__scs_overlays_trampoline_lowered:
0x8: {  	[smem:$0x3FAC] =	sst s0  }
0x9: {  	[smem:$0x3FAD] =	sst s1  }
0xa: {  	[smem:$0x3FAE] =	sst s2  }
0xb: {  	[smem:$0x3FAF] =	sst s3  }
0xc: {  	[smem:$0x3FB0] =	sst s4  }
0xd: {  	[smem:$0x3FB1] =	sst s5  }
0xe: {  	[smem:$0x3FB2] =	sst s6  }
0xf: {  	[smem:$0x3FB3] =	sst s7  }
0x10: {  	[smem:$0x3FB4] =	sst s8  }
0x11: {  	[smem:$0x3FB5] =	sst s9;
	s0 =	simm.s32 @!p0 $0x0  }
0x12: {  	s1 =	sld [smem:$0x3F9B];
	s0 =	simm.s32 @p0 $0x1  }
0x13: {  	[smem:$0x3FB6] =	sst s0;
	s0 =	simm.s32 @!p1 $0x0  }
0x14: {  	s2 =	sld [smem:$0x3F9A];
	s0 =	simm.s32 @p1 $0x1  }
0x15: {  	[smem:$0x3FB7] =	sst s0;
	s0 =	simm.s32 @!p2 $0x0  }
0x16: {  	s3 =	sld [smem:$0x3FDB];
	s0 =	simm.s32 @p2 $0x1  }
0x17: {  	s4 =	simm.s32 $0x1BF5;
	[smem:$0x3FB9] =	sst s0  }
0x18: {  	s0 =	sld [smem:$0x3F9C];
	_ =	swait.ge [sflag:s4], $0x0  }
0x19: {  	s7 =	sld [smem:$0x3F9D]  }
0x1a: {  	s8 =	sadd.s32 $0xFFFFE003, lr  }
0x1b: {  	s9 =	sadd.s32 $0xFFFFFEF7, lr;
	s5 =	simm.s32 $0xFFFFFFFF;
	p2 =	slt.u32 s8, $0xFFFFF086  }
0x1c: {  	p1 =	slt.u32 s9, $0xF7A;
	s5 =	simm.s32 @!p2 $0x0  }
0x1d: {  	s5 =	simm.s32 @p1 $0x1;
	p0 =	seq.s32 s7, s2  }
0x1e: {  	s7 =	smul.u32 @!p0 $0xF7A, s2;
	p2 =	seq.s32 @!p0 s5, $0x0  }
0x1f: {  	s9 =	smul.u32 $0xF7A, s1;
	s8 =	simm.s32 @!p0 $0x1BF5;
	p2 =	por !p2, p0  }
0x20: {  	[sflag:s8] =	ssyncset.s32 @!p0 $0xFFFFF086;
	s6 =	sadd.s32 @!p0 s3, s7;
	s7 =	simm.s32 @!p0 $0x108  }
0x21: {  	s3 =	sadd.s32 s3, s9;
	s6 =	sadd.s32 @!p0 $0x88, s6;
	s7 =	simm.s32 @p2 $0x1082  }
0x22: {  	[simem:s7], [sflag:s8] =	dma.local @!p0 [hbm:s6], $0xF7A  }
0x23: {  	s9 =	sor.u32 $0xD0000000, s2;
	s6 =	simm.s32 $0x108;
	_ =	swait.ge @!p0 [sflag:s8], $0x0  }
0x24: {  	s3 =	sadd.s32 $0x88, s3;
	s6 =	simm.s32 @!p1 $0x1082;
	[sflag:s4] =	ssyncset.s32 $0xFFFFF086  }
0x25: {  	[simem:s6], [sflag:s4] =	dma.local [hbm:s3], $0xF7A  }
0x26: {  	[smem:$0x3F9D] =	sst s1;
	(tag) =	ssettag s2;
	_ =	strace s9  }
0x27: {  	s1 =	sld [smem:$0x3FAD]  }
0x28: {  	s2 =	sld [smem:$0x3FAE]  }
0x29: {  	s4 =	sld [smem:$0x3FB0]  }
0x2a: {  	p0 =	seq.s32 s5, $0x0;
	s5 =	sld [smem:$0x3FB1]  }
0x2b: {  	s6 =	sld [smem:$0x3FB2]  }
0x2c: {  	s7 =	sld [smem:$0x3FB3]  }
0x2d: {  	s3 =	simm.s32 $0x108;
	s8 =	sld [smem:$0x3FB4]  }
0x2e: {  	s3 =	simm.s32 @!p0 $0x1082;
	s9 =	sld [smem:$0x3FB5]  }
0x2f: {  	lr =	sadd.s32 s0, s3;
	s0 =	sld [smem:$0x3FAC]  }
0x30: {  	s3 =	sld [smem:$0x3FAF]  }
0x31: {  	[smem:$0x3FB8] =	sst s10  }
0x32: {  	s10 =	sld [smem:$0x3FB6];
	_ =	sdelay $0x3  }
0x33: {  	p0 =	seq.s32 s10, $0x1;
	s10 =	sld [smem:$0x3FB8];
	_ =	sdelay $0x3  }
0x34: {  	[smem:$0x3FB8] =	sst s10  }
0x35: {  	s10 =	sld [smem:$0x3FB7];
	_ =	sdelay $0x3  }
0x36: {  	p1 =	seq.s32 s10, $0x1;
	s10 =	sld [smem:$0x3FB8];
	_ =	sdelay $0x3  }
0x37: {  	[smem:$0x3FB8] =	sst s10  }
0x38: {  	s10 =	sld [smem:$0x3FB9]  }
0x39: {  	_ = 	snop;
	(pc) =	sbr.ind lr, $3  }
0x3a: {  	_ = 	snop  }
0x3b: {  	_ = 	snop  }
0x3c: {  	p2 =	seq.s32 s10, $0x1;
	s10 =	sld [smem:$0x3FB8]  }
0x3d: {  	_ =	shalt  }
0x3e: {  	_ =	shalt  }
0x3f: {  	_ =	shalt  }
0x40: {  	_ =	shalt  }
0x41: {  	_ =	shalt  }
0x42: {  	_ =	shalt  }
0x43: {  	_ =	shalt  }
0x44: {  	_ =	shalt  }
0x45: {  	_ =	shalt  }
0x46: {  	_ =	shalt  }
0x47: {  	_ =	shalt  }
0x48: {  	_ =	shalt  }
0x49: {  	_ =	shalt  }
0x4a: {  	_ =	shalt  }
0x4b: {  	_ =	shalt  }
0x4c: {  	_ =	shalt  }
0x4d: {  	_ =	shalt  }
0x4e: {  	_ =	shalt  }
0x4f: {  	_ =	shalt  }
0x50: {  	_ =	shalt  }
0x51: {  	_ =	shalt  }
0x52: {  	_ =	shalt  }
0x53: {  	_ =	shalt  }
0x54: {  	_ =	shalt  }
0x55: {  	_ =	shalt  }
0x56: {  	_ =	shalt  }
0x57: {  	_ =	shalt  }
0x58: {  	_ =	shalt  }
0x59: {  	_ =	shalt  }
0x5a: {  	_ =	shalt  }
0x5b: {  	_ =	shalt  }
0x5c: {  	_ =	shalt  }
0x5d: {  	_ =	shalt  }
0x5e: {  	_ =	shalt  }
0x5f: {  	_ =	shalt  }
0x60: {  	_ =	shalt  }
0x61: {  	_ =	shalt  }
0x62: {  	_ =	shalt  }
0x63: {  	_ =	shalt  }
0x64: {  	_ =	shalt  }
0x65: {  	_ =	shalt  }
0x66: {  	_ =	shalt  }
0x67: {  	_ =	shalt  }
0x68: {  	_ =	shalt  }
0x69: {  	_ =	shalt  }
0x6a: {  	_ =	shalt  }
0x6b: {  	_ =	shalt  }
0x6c: {  	_ =	shalt  }
0x6d: {  	_ =	shalt  }
0x6e: {  	_ =	shalt  }
0x6f: {  	_ =	shalt  }
0x70: {  	_ =	shalt  }
0x71: {  	_ =	shalt  }
0x72: {  	_ =	shalt  }
0x73: {  	_ =	shalt  }
0x74: {  	_ =	shalt  }
0x75: {  	_ =	shalt  }
0x76: {  	_ =	shalt  }
0x77: {  	_ =	shalt  }
0x78: {  	_ =	shalt  }
0x79: {  	_ =	shalt  }
0x7a: {  	_ =	shalt  }
0x7b: {  	_ =	shalt  }
0x7c: {  	_ =	shalt  }
0x7d: {  	_ =	shalt  }
0x7e: {  	_ =	shalt  }
0x7f: {  	_ =	shalt  }
0x80: {  	_ =	shalt  }
0x81: {  	_ =	shalt  }
0x82: {  	_ =	shalt  }
0x83: {  	_ =	shalt  }
0x84: {  	_ =	shalt  }
0x85: {  	_ =	shalt  }
0x86: {  	_ =	shalt  }
0x87: {  	_ =	shalt  }
.Lfunc_end0:
.L_simem_size_0:
called_computation.1_lowered:
.L_overlay_start_0:
0x88: {  	s2 =	sld [smem:$0x3FD9]  }
0x89: {  	s3 =	sld [smem:$0x3FFE];
	_ =	sdelay $0x1  }
0x8a: {  	s1 =	srdreg.scid  }
0x8b: {  	s0 =	sand.u32 $0x1, s1  }
0x8c: {  	s17 =	sshll.u32 s0, $0xA;
	s2 =	sadd.s32 s3, s2  }
0x8d: {  	s2 =	sadd.s32 s2, s17  }
0x8e: {  	[smem:$0x3FC4] =	sst s2  }
0x8f: {  	_ = 	snop  }
0x90: {  	s2 =	sld [smem:$0x3FD0];
	(tm) =	ssettm $0x1  }
0x91: {  	s18 =	sld [smem:$0x3FFB];
	_ =	sdelay $0x3  }
0x92: {  	_ =	strace s18  }
0x93: {  	s3 =	sld [smem:$0x3FFC];
	_ =	sdelay $0x3  }
0x94: {  	_ =	strace s3  }
0x95: {  	s3 =	sld [smem:$0x3FFD];
	_ =	sdelay $0x3  }
0x96: {  	_ =	strace s3  }
0x97: {  	_ =	strace $0x8FFFFFFF  }
0x98: {  	s19 =	sld [smem:$0x3FDB];
	_ =	sdelay $0x1  }
0x99: {  	s4 =	simm.s32 $_scs_section_size  }
0x9a: {  	s5 =	simm.s32 $_size__tile_overlayer_lowered;
	s6 =	simm.s32 $_tile_overlayer_lowered  }
0x9b: {  	s22 =	simm.s32 $0x1BFF;
	s21 =	sshll.u32 s6, $0x1;
	s3 =	sadd.s32 s4, s19  }
0x9c: {  	s7 =	simm.s32 $0x0;
	s20 =	sshll.u32 s5, $0x1;
	s5 =	sadd.s32 s21, s3  }
0x9d: {  	[timem:s7], [sflag:s22] =	dma.local [hbm:s5], s20  }
0x9e: {  	_ =	swait.ge [sflag:s22], s20  }
0x9f: {  	s4 =	ssub.s32 $0x0, s20;
	[sflag:s22] =	ssyncset.done $0x0  }
0xa0: {  	[sflag:s22] =	ssyncadd.s32 s4;
	_ =	sdelay $0x1  }
0xa1: {  	s23 =	simm.s32 $0x1B8B  }
0xa2: {  	_ =	swait.ge [sflag:s23], $0x1  }
0xa3: {  	[sflag:s23] =	ssyncset.done $0x0  }
0xa4: {  	s25 =	simm.s32 $0x1B8E;
	s24 =	sld [smem:$0x3FFE];
	[sflag:s23] =	ssyncadd.s32 $0xFFFFFFFF  }
0xa5: {  	s26 =	simm.s32 $execute0_lowered;
	[smem:$0x3FD2] =	sst s25  }
0xa6: {  	s5 =	sshll.u32 s26, $0x1;
	_ =	strace $0x80000046;
	[dreg:$0x1] =	wrdreg $0xFFFFFFFF  }
0xa7: {  	s28 =	simm.s32 $_size_execute0_lowered;
	s3 =	sadd.s32 s3, s5;
	[dreg:$0x0] =	wrdreg $0x0  }
0xa8: {  	s5 =	sshll.u32 s28, $0x1;
	[dreg:$0x2] =	wrdreg s3  }
0xa9: {  	[dreg:$0x3] =	wrdreg s5  }
0xaa: {  	[dreg:$0x4] =	wrdreg $0xC0  }
0xab: {  	_ =	task [dreg:s7], $0x5FFFF  }
0xac: {  	[dreg:$0x1] =	wrdreg $0xFFFFFFFF  }
0xad: {  	[dreg:$0x0] =	wrdreg $0x60  }
0xae: {  	[dreg:$0x2] =	wrdreg s24  }
0xaf: {  	[dreg:$0x3] =	wrdreg s2  }
0xb0: {  	[dreg:$0x4] =	wrdreg $0x9  }
0xb1: {  	_ =	task.clear_ibuf [dreg:s7], $0x5FFFF;
	_ =	strace $0x90000046  }
0xb2: {  	s29 =	simm.s32 $0x9;
	_ =	strace $0x80000048  }
0xb3: {  	_ =	swait.ge [sflag:s29], $0x1  }
0xb4: {  	[sflag:s29] =	ssyncadd.s32 $0xFFFFFFFF  }
0xb5: {  	_ =	strace $0x90000048  }
0xb6: {  	_ =	sfence  }
0xb7: {  	s30 =	sld [smem:$0x0];
	_ =	sdelay $0x2  }
0xb8: {  	s31 =	sshll.u32 s1, $0xD;
	s1 =	sshrl.u32 s1, $0x2  }
0xb9: {  	s3 =	sand.u32 $0x4000, s31;
	s1 =	sadd.s32 s1, s30  }
0xba: {  	s0 =	sor.u32 s3, s0;
	s1 =	sshll.u32 s1, $0x11  }
0xbb: {  	s0 =	sor.u32 s1, s0  }
0xbc: {  	s0 =	sadd.s32 $0x8F2B, s0  }
0xbd: {  	[sflag:s0] =	ssyncadd.remote.s32 $0x1  }
0xbe: {  	_ =	sfence.sel $0xFFFF  }
0xbf: {  	[dreg:$0x0] =	wrdreg $0xFFFFFFFF;
	(pc) =	sbr.abs _section_cstart, $3  }
0xc0: {  	[dreg:$0x1] =	wrdreg $0xFFFFFFFF  }
0xc1: {  	_ =	task.clear_ibuf [dreg:s7], $0x2FFFF;
	_ =	strace $0x9FFFFFFF  }
0xc2: {  	(tm) =	ssettm $0x7FFFFFFF  }
0xc3: {  	_ =	shalt  }
tec
execute0_lowered:
.L_overlay_start_1:
0x0: {  	(tag) =	ssettag $0x1  }
0x1: {  	s4 =	rddreg [dreg:$0x0]  }
0x2: {  	s2 =	rddreg [dreg:$0x1];
	s3 =	srdreg.scid  }
0x3: {  	s1 =	stileid.u32;
	s0 =	rddreg [dreg:$0x2];
	s9 =	simm.s32 $0x6400  }
0x4: {  	s10 =	simm.s32 $0x8400;
	s11 =	simm.s32 $0xA400;
	s12 =	simm.s32 $0xC400  }
0x5: {  	s13 =	simm.s32 $0xE400;
	s14 =	simm.s32 $0x10400;
	s15 =	simm.s32 $0x12400  }
0x6: {  	s16 =	simm.s32 $0x14400;
	s17 =	simm.s32 $0x1;
	s18 =	simm.s32 $0x0  }
0x7: {  	s5 =	sand.u32 $0x1, s3;
	s6 =	smul.u32 $0x320000, s1;
	s7 =	sshll.u32 s1, $0x1  }
0x8: {  	s3 =	simm.s32 $0x0;
	s8 =	smul.u32 $0x190000, s5;
	s7 =	sor.u32 s5, s7  }
0x9: {  	[smem:$0x7FF] =	sst s3;
	s5 =	ssub.s32 $0x2, s5;
	s7 =	smul.u32 $0xC80, s7  }
0xa: {  	_ =	strace $0x80000047;
	s31 =	sshrl.u32 s5, $0x1;
	s6 =	sadd.s32 s8, s6  }
0xb: {  	s5 =	ssub.s32 s5, s31;
	s8 =	simm.s32 $0x80;
	s6 =	sshrl.u32 s6, $0x3  }
0xc: {  	s7 =	sadd.s32 s7, s4;
	s5 =	smax.u32 s5, $0x1;
	s6 =	sadd.s32 s6, s4  }
0xd: {  	s4 =	sadd.s32 $0xC00, s7;
	s7 =	simm.s32 $0x2;
	s6 =	sadd.s32 $0x19C00, s6  }
.LBB2_1:
0xe: {  	[tilespmem:s3], [sflag:$0x2] =	stream.linear.gather [hbm4b:s4+s3], $0x6400, $0x38;
	[tilespmem:$0x16400] =	vst v63  }
0xf: {  	_ =	swait.ge [sflag:s7], $0x6400  }
0x10: {  	[sflag:s7] =	ssyncset.done $0x0  }
0x11: {  	s19 =	simm.s32 $0x0;
	[sflag:s7] =	ssyncadd.s32 $0xFFFF9C00  }
0x12: {  	[tilespmem:s9], [sflag:$0x1] =	stream.indirect.gather [hbm4b:s2+s8], $0x40, s19, s8, $0xb8;
	[tilespmem:$0x16400] =	vst v63  }
0x13: {  	s24 =	simm.s32 $0x80  }
0x14: {  	[tilespmem:s10], [sflag:$0x1] =	stream.indirect.gather [hbm4b:s2+s8], $0x40, s24, s8, $0xb8;
	[tilespmem:$0x16400] =	vst v63  }
0x15: {  	s25 =	simm.s32 $0x100  }
0x16: {  	[tilespmem:s11], [sflag:$0x1] =	stream.indirect.gather [hbm4b:s2+s8], $0x40, s25, s8, $0xb8;
	[tilespmem:$0x16400] =	vst v63  }
0x17: {  	s26 =	simm.s32 $0x180  }
0x18: {  	[tilespmem:s12], [sflag:$0x1] =	stream.indirect.gather [hbm4b:s2+s8], $0x40, s26, s8, $0xb8;
	[tilespmem:$0x16400] =	vst v63  }
0x19: {  	s28 =	simm.s32 $0x200  }
0x1a: {  	[tilespmem:s13], [sflag:$0x1] =	stream.indirect.gather [hbm4b:s2+s8], $0x40, s28, s8, $0xb8;
	[tilespmem:$0x16400] =	vst v63  }
0x1b: {  	s29 =	simm.s32 $0x280  }
0x1c: {  	[tilespmem:s14], [sflag:$0x1] =	stream.indirect.gather [hbm4b:s2+s8], $0x40, s29, s8, $0xb8;
	[tilespmem:$0x16400] =	vst v63  }
0x1d: {  	s30 =	simm.s32 $0x300  }
0x1e: {  	[tilespmem:s15], [sflag:$0x1] =	stream.indirect.gather [hbm4b:s2+s8], $0x40, s30, s8, $0xb8;
	[tilespmem:$0x16400] =	vst v63  }
0x1f: {  	s31 =	simm.s32 $0x380  }
0x20: {  	[tilespmem:s16], [sflag:$0x1] =	stream.indirect.gather [hbm4b:s2+s8], $0x40, s31, s8, $0xb8;
	[tilespmem:$0x16400] =	vst v63  }
0x21: {  	_ =	swait.ge [sflag:s17], $0x2000  }
0x22: {  	[sflag:s17] =	ssyncset.done $0x0  }
0x23: {  	[sflag:s17] =	ssyncadd.s32 $0xFFFFE000  }
0x24: {  	_ =	swait.ge [sflag:s17], $0x2000  }
0x25: {  	[sflag:s17] =	ssyncset.done $0x0  }
0x26: {  	[sflag:s17] =	ssyncadd.s32 $0xFFFFE000  }
0x27: {  	_ =	swait.ge [sflag:s17], $0x2000  }
0x28: {  	[sflag:s17] =	ssyncset.done $0x0  }
0x29: {  	[sflag:s17] =	ssyncadd.s32 $0xFFFFE000  }
0x2a: {  	_ =	swait.ge [sflag:s17], $0x2000  }
0x2b: {  	[sflag:s17] =	ssyncset.done $0x0  }
0x2c: {  	[sflag:s17] =	ssyncadd.s32 $0xFFFFE000  }
0x2d: {  	_ =	swait.ge [sflag:s17], $0x2000  }
0x2e: {  	[sflag:s17] =	ssyncset.done $0x0  }
0x2f: {  	[sflag:s17] =	ssyncadd.s32 $0xFFFFE000  }
0x30: {  	_ =	swait.ge [sflag:s17], $0x2000  }
0x31: {  	[sflag:s17] =	ssyncset.done $0x0  }
0x32: {  	[sflag:s17] =	ssyncadd.s32 $0xFFFFE000  }
0x33: {  	_ =	swait.ge [sflag:s17], $0x2000  }
0x34: {  	[sflag:s17] =	ssyncset.done $0x0  }
0x35: {  	[sflag:s17] =	ssyncadd.s32 $0xFFFFE000  }
0x36: {  	_ =	swait.ge [sflag:s17], $0x2000  }
0x37: {  	[sflag:s17] =	ssyncset.done $0x0  }
0x38: {  	[sflag:s17] =	ssyncadd.s32 $0xFFFFE000  }
0x39: {  	[hbm4b:s6+s3] =	stream.linear.scatter [tilespmem:s9], [sflag:$0x2], $0x10000, $0x38;
	[tilespmem:$0x16400] =	vst v63  }
0x3a: {  	s20 =	simm.s32 $0x1000;
	_ =	swait.ge [sflag:s7], $0x10000  }
0x3b: {  	s22 =	simm.s32 $0x2000;
	s19 =	sadd.s32 $0x2000, s6;
	[sflag:s7] =	ssyncset.done $0x0  }
.LBB2_2:
0x3c: {  	s23 =	sshra.s32 s20, $0x2  }
0x3d: {  	[sflag:s7] =	ssyncadd.s32 $0xFFFF0000;
	s20 =	smov.u32 s22;
	s21 =	sadd.s32 $0x1000, s22  }
0x3e: {  	[tilespmem:s9], [sflag:$0x1] =	stream.indirect.gather [hbm4b:s2+s8], $0x40, s23, s8, $0xb8;
	[tilespmem:$0x16400] =	vst v63  }
0x3f: {  	p0 =	sne.s32 s22, $0x18000;
	s22 =	sadd.s32 $0x80, s23  }
0x40: {  	[tilespmem:s10], [sflag:$0x1] =	stream.indirect.gather [hbm4b:s2+s8], $0x40, s22, s8, $0xb8;
	[tilespmem:$0x16400] =	vst v63  }
0x41: {  	s22 =	sadd.s32 $0x100, s23  }
0x42: {  	[tilespmem:s11], [sflag:$0x1] =	stream.indirect.gather [hbm4b:s2+s8], $0x40, s22, s8, $0xb8;
	[tilespmem:$0x16400] =	vst v63  }
0x43: {  	s22 =	sadd.s32 $0x180, s23  }
0x44: {  	[tilespmem:s12], [sflag:$0x1] =	stream.indirect.gather [hbm4b:s2+s8], $0x40, s22, s8, $0xb8;
	[tilespmem:$0x16400] =	vst v63  }
0x45: {  	s22 =	sadd.s32 $0x200, s23  }
0x46: {  	[tilespmem:s13], [sflag:$0x1] =	stream.indirect.gather [hbm4b:s2+s8], $0x40, s22, s8, $0xb8;
	[tilespmem:$0x16400] =	vst v63  }
0x47: {  	s22 =	sadd.s32 $0x280, s23  }
0x48: {  	[tilespmem:s14], [sflag:$0x1] =	stream.indirect.gather [hbm4b:s2+s8], $0x40, s22, s8, $0xb8;
	[tilespmem:$0x16400] =	vst v63  }
0x49: {  	s22 =	sadd.s32 $0x300, s23  }
0x4a: {  	[tilespmem:s15], [sflag:$0x1] =	stream.indirect.gather [hbm4b:s2+s8], $0x40, s22, s8, $0xb8;
	[tilespmem:$0x16400] =	vst v63  }
0x4b: {  	s22 =	sadd.s32 $0x380, s23  }
0x4c: {  	[tilespmem:s16], [sflag:$0x1] =	stream.indirect.gather [hbm4b:s2+s8], $0x40, s22, s8, $0xb8;
	[tilespmem:$0x16400] =	vst v63  }
0x4d: {  	_ =	swait.ge [sflag:s17], $0x2000  }
0x4e: {  	[sflag:s17] =	ssyncset.done $0x0  }
0x4f: {  	[sflag:s17] =	ssyncadd.s32 $0xFFFFE000  }
0x50: {  	_ =	swait.ge [sflag:s17], $0x2000  }
0x51: {  	[sflag:s17] =	ssyncset.done $0x0  }
0x52: {  	[sflag:s17] =	ssyncadd.s32 $0xFFFFE000  }
0x53: {  	_ =	swait.ge [sflag:s17], $0x2000  }
0x54: {  	[sflag:s17] =	ssyncset.done $0x0  }
0x55: {  	[sflag:s17] =	ssyncadd.s32 $0xFFFFE000  }
0x56: {  	_ =	swait.ge [sflag:s17], $0x2000  }
0x57: {  	[sflag:s17] =	ssyncset.done $0x0  }
0x58: {  	[sflag:s17] =	ssyncadd.s32 $0xFFFFE000  }
0x59: {  	_ =	swait.ge [sflag:s17], $0x2000  }
0x5a: {  	[sflag:s17] =	ssyncset.done $0x0  }
0x5b: {  	[sflag:s17] =	ssyncadd.s32 $0xFFFFE000  }
0x5c: {  	_ =	swait.ge [sflag:s17], $0x2000  }
0x5d: {  	[sflag:s17] =	ssyncset.done $0x0  }
0x5e: {  	[sflag:s17] =	ssyncadd.s32 $0xFFFFE000  }
0x5f: {  	_ =	swait.ge [sflag:s17], $0x2000  }
0x60: {  	[sflag:s17] =	ssyncset.done $0x0  }
0x61: {  	[sflag:s17] =	ssyncadd.s32 $0xFFFFE000  }
0x62: {  	_ =	swait.ge [sflag:s17], $0x2000  }
.Ltmp0:
0x63: {  	[sflag:s17] =	ssyncset.done $0x0;
	(pc) =	sbr.rel @p0 .LBB2_2-.Ltmp0, $4  }
0x64: {  	[sflag:s17] =	ssyncadd.s32 $0xFFFFE000  }
0x65: {  	[hbm4b:s19+s3] =	stream.linear.scatter [tilespmem:s9], [sflag:$0x2], $0x10000, $0x38;
	[tilespmem:$0x16400] =	vst v63  }
0x66: {  	_ =	swait.ge [sflag:s7], $0x10000  }
0x67: {  	s22 =	smov.u32 s21;
	s19 =	sadd.s32 $0x2000, s19;
	[sflag:s7] =	ssyncset.done $0x0  }
0x68: {  	s20 =	sshra.s32 s20, $0x2;
	[sflag:s7] =	ssyncadd.s32 $0xFFFF0000  }
0x69: {  	[tilespmem:s9], [sflag:$0x1] =	stream.indirect.gather [hbm4b:s2+s8], $0x40, s20, s8, $0xb8;
	[tilespmem:$0x16400] =	vst v63  }
0x6a: {  	s21 =	sadd.s32 $0x80, s20  }
0x6b: {  	[tilespmem:s10], [sflag:$0x1] =	stream.indirect.gather [hbm4b:s2+s8], $0x40, s21, s8, $0xb8;
	[tilespmem:$0x16400] =	vst v63  }
0x6c: {  	s26 =	sadd.s32 $0x100, s20  }
0x6d: {  	[tilespmem:s11], [sflag:$0x1] =	stream.indirect.gather [hbm4b:s2+s8], $0x40, s26, s8, $0xb8;
	[tilespmem:$0x16400] =	vst v63  }
0x6e: {  	s28 =	sadd.s32 $0x180, s20  }
0x6f: {  	[tilespmem:s12], [sflag:$0x1] =	stream.indirect.gather [hbm4b:s2+s8], $0x40, s28, s8, $0xb8;
	[tilespmem:$0x16400] =	vst v63  }
0x70: {  	s29 =	sadd.s32 $0x200, s20  }
0x71: {  	[tilespmem:s13], [sflag:$0x1] =	stream.indirect.gather [hbm4b:s2+s8], $0x40, s29, s8, $0xb8;
	[tilespmem:$0x16400] =	vst v63  }
0x72: {  	s30 =	sadd.s32 $0x280, s20  }
0x73: {  	[tilespmem:s14], [sflag:$0x1] =	stream.indirect.gather [hbm4b:s2+s8], $0x40, s30, s8, $0xb8;
	[tilespmem:$0x16400] =	vst v63  }
0x74: {  	s31 =	sadd.s32 $0x300, s20  }
0x75: {  	[tilespmem:s15], [sflag:$0x1] =	stream.indirect.gather [hbm4b:s2+s8], $0x40, s31, s8, $0xb8;
	[tilespmem:$0x16400] =	vst v63  }
0x76: {  	s20 =	sadd.s32 $0x380, s20  }
0x77: {  	[tilespmem:s16], [sflag:$0x1] =	stream.indirect.gather [hbm4b:s2+s8], $0x40, s20, s8, $0xb8;
	[tilespmem:$0x16400] =	vst v63  }
0x78: {  	_ =	swait.ge [sflag:s17], $0x2000  }
0x79: {  	[sflag:s17] =	ssyncset.done $0x0  }
0x7a: {  	[sflag:s17] =	ssyncadd.s32 $0xFFFFE000  }
0x7b: {  	_ =	swait.ge [sflag:s17], $0x2000  }
0x7c: {  	[sflag:s17] =	ssyncset.done $0x0  }
0x7d: {  	[sflag:s17] =	ssyncadd.s32 $0xFFFFE000  }
0x7e: {  	_ =	swait.ge [sflag:s17], $0x2000  }
0x7f: {  	[sflag:s17] =	ssyncset.done $0x0  }
0x80: {  	[sflag:s17] =	ssyncadd.s32 $0xFFFFE000  }
0x81: {  	_ =	swait.ge [sflag:s17], $0x2000  }
0x82: {  	[sflag:s17] =	ssyncset.done $0x0  }
0x83: {  	[sflag:s17] =	ssyncadd.s32 $0xFFFFE000  }
0x84: {  	_ =	swait.ge [sflag:s17], $0x2000  }
0x85: {  	[sflag:s17] =	ssyncset.done $0x0  }
0x86: {  	[sflag:s17] =	ssyncadd.s32 $0xFFFFE000  }
0x87: {  	_ =	swait.ge [sflag:s17], $0x2000  }
0x88: {  	[sflag:s17] =	ssyncset.done $0x0  }
0x89: {  	[sflag:s17] =	ssyncadd.s32 $0xFFFFE000  }
0x8a: {  	_ =	swait.ge [sflag:s17], $0x2000  }
0x8b: {  	[sflag:s17] =	ssyncset.done $0x0  }
0x8c: {  	[sflag:s17] =	ssyncadd.s32 $0xFFFFE000  }
0x8d: {  	s18 =	sadd.s32 $0x1, s18;
	_ =	swait.ge [sflag:s17], $0x2000  }
0x8e: {  	p0 =	sne.s32 s18, s5;
	[sflag:s17] =	ssyncset.done $0x0  }
.Ltmp1:
0x8f: {  	[sflag:s17] =	ssyncadd.s32 $0xFFFFE000;
	(pc) =	sbr.rel @p0 .LBB2_1-.Ltmp1, $4  }
0x90: {  	[hbm4b:s19+s3] =	stream.linear.scatter [tilespmem:s9], [sflag:$0x2], $0x10000, $0x38;
	[tilespmem:$0x16400] =	vst v63  }
0x91: {  	_ =	swait.ge [sflag:s7], $0x10000  }
0x92: {  	[sflag:s7] =	ssyncset.done $0x0  }
0x93: {  	[sflag:s7] =	ssyncadd.s32 $0xFFFF0000  }
0x94: {  	_ =	sfence.sel $0x180000  }
0x95: {  	[bflag:$0x0] =	sbarrier.arrive $0xFFFF  }
0x96: {  	p0 =	sne.s32 s1, $0x0;
	_ =	strace $0x90000047  }
0x97: {  	s0 =	sadd.s32 @!p0 $0x100000, s0;
	[bflag:$0x2] =	sbarrier.arrive $0xFFFF  }
0x98: {  	[sflag:s0] =	ssyncadd.tile.s32 @!p0 $0x1;
	_ =	shalt  }
.Lfunc_end2:
_tile_overlayer_lowered:
.L_overlay_start_2:
0x99: {  	(tag) =	ssettag $0x2  }
0x9a: {  	s0 =	rddreg [dreg:$0x0];
	s2 =	stileid.u32  }
0x9b: {  	s1 =	rddreg [dreg:$0x1];
	p0 =	sne.s32 s2, $0x0  }
0x9c: {  	s3 =	rddreg [dreg:$0x2];
	[bflag:$0x3] =	sbarrier.arrive $0xFFFF;
	s2 =	simm.s32 @!p0 $0x1C02  }
0x9d: {  	[timem:s3], [sflag:s2] =	dma.local @!p0 [hbm:s0], s1  }
0x9e: {  	s0 =	simm.s32 @!p0 $0x2  }
0x9f: {  	_ =	swait.ge @!p0 [sflag:s0], s1  }
0xa0: {  	s1 =	ssub.s32 @!p0 $0x0, s1;
	[sflag:s0] =	ssyncset.done @!p0 $0x0  }
0xa1: {  	[sflag:s0] =	ssyncadd.s32 @!p0 s1  }
0xa2: {  	[bflag:$0x3] =	sbarrier.arrive $0xFFFF  }
0xa3: {  	_ =	shalt  }

// kernel: sparse-core-data-format-call.cloned.1.call-start
scs
called_computation_lowered:
.L_overlay_start_0:
0x0: {  	s2 =	sld [smem:$0x3FD9]  }
0x1: {  	s3 =	sld [smem:$0x3FFE];
	_ =	sdelay $0x1  }
0x2: {  	s1 =	srdreg.scid  }
0x3: {  	s0 =	sand.u32 $0x1, s1  }
0x4: {  	s18 =	sshll.u32 s0, $0xA;
	s2 =	sadd.s32 s3, s2  }
0x5: {  	s2 =	sadd.s32 s2, s18  }
0x6: {  	[smem:$0x3FC4] =	sst s2  }
0x7: {  	_ = 	snop  }
0x8: {  	s2 =	sld [smem:$0x3FD0];
	(tm) =	ssettm $0x1  }
0x9: {  	s19 =	sld [smem:$0x3FFB];
	_ =	sdelay $0x3  }
0xa: {  	_ =	strace s19  }
0xb: {  	s3 =	sld [smem:$0x3FFC];
	_ =	sdelay $0x3  }
0xc: {  	_ =	strace s3  }
0xd: {  	s3 =	sld [smem:$0x3FFD];
	_ =	sdelay $0x3  }
0xe: {  	_ =	strace s3  }
0xf: {  	_ =	strace $0x8FFFFFFF  }
0x10: {  	s20 =	sld [smem:$0x3FDB];
	_ =	sdelay $0x1  }
0x11: {  	s4 =	simm.s32 $_scs_section_size  }
0x12: {  	s5 =	simm.s32 $_size__tile_overlayer_lowered;
	s6 =	simm.s32 $_tile_overlayer_lowered  }
0x13: {  	s23 =	simm.s32 $0x1BFF;
	s22 =	sshll.u32 s6, $0x1;
	s3 =	sadd.s32 s4, s20  }
0x14: {  	s7 =	simm.s32 $0x0;
	s21 =	sshll.u32 s5, $0x1;
	s5 =	sadd.s32 s22, s3  }
0x15: {  	[timem:s7], [sflag:s23] =	dma.local [hbm:s5], s21  }
0x16: {  	_ =	swait.ge [sflag:s23], s21  }
0x17: {  	s4 =	ssub.s32 $0x0, s21;
	[sflag:s23] =	ssyncset.done $0x0  }
0x18: {  	[sflag:s23] =	ssyncadd.s32 s4;
	_ =	sdelay $0x1  }
0x19: {  	s24 =	simm.s32 $0x1B8B  }
0x1a: {  	_ =	swait.ge [sflag:s24], $0x1  }
0x1b: {  	[sflag:s24] =	ssyncset.done $0x0  }
0x1c: {  	s26 =	simm.s32 $0x1B8E;
	s25 =	sld [smem:$0x3FFE];
	[sflag:s24] =	ssyncadd.s32 $0xFFFFFFFF  }
0x1d: {  	s27 =	simm.s32 $execute0_lowered;
	[smem:$0x3FD2] =	sst s26  }
0x1e: {  	s5 =	sshll.u32 s27, $0x1;
	_ =	strace $0x80000049;
	[dreg:$0x1] =	wrdreg $0xFFFFFFFF  }
0x1f: {  	s28 =	simm.s32 $_size_execute0_lowered;
	s3 =	sadd.s32 s3, s5;
	[dreg:$0x0] =	wrdreg $0x0  }
0x20: {  	s5 =	sshll.u32 s28, $0x1;
	[dreg:$0x2] =	wrdreg s3  }
0x21: {  	[dreg:$0x3] =	wrdreg s5  }
0x22: {  	[dreg:$0x4] =	wrdreg $0xC0  }
0x23: {  	_ =	task [dreg:s7], $0x5FFFF  }
0x24: {  	[dreg:$0x1] =	wrdreg $0xFFFFFFFF  }
0x25: {  	[dreg:$0x0] =	wrdreg $0x60  }
0x26: {  	[dreg:$0x2] =	wrdreg s25  }
0x27: {  	[dreg:$0x3] =	wrdreg s2  }
0x28: {  	[dreg:$0x4] =	wrdreg $0x9  }
0x29: {  	_ =	task.clear_ibuf [dreg:s7], $0x5FFFF;
	_ =	strace $0x90000049  }
0x2a: {  	s29 =	simm.s32 $0x9;
	_ =	strace $0x8000004B  }
0x2b: {  	_ =	swait.ge [sflag:s29], $0x1  }
0x2c: {  	[sflag:s29] =	ssyncadd.s32 $0xFFFFFFFF  }
0x2d: {  	_ =	strace $0x9000004B  }
0x2e: {  	_ =	sfence  }
0x2f: {  	s30 =	sld [smem:$0x0];
	_ =	sdelay $0x2  }
0x30: {  	s31 =	sshll.u32 s1, $0xD;
	s1 =	sshrl.u32 s1, $0x2  }
0x31: {  	s3 =	sand.u32 $0x4000, s31;
	s1 =	sadd.s32 s1, s30  }
0x32: {  	s0 =	sor.u32 s3, s0;
	s1 =	sshll.u32 s1, $0x11  }
0x33: {  	s0 =	sor.u32 s1, s0  }
0x34: {  	s0 =	sadd.s32 $0x8F2B, s0  }
0x35: {  	[sflag:s0] =	ssyncadd.remote.s32 $0x1  }
0x36: {  	_ =	sfence.sel $0xFFFF  }
0x37: {  	[dreg:$0x0] =	wrdreg $0xFFFFFFFF;
	(pc) =	sbr.abs _section_cstart, $3  }
0x38: {  	[dreg:$0x1] =	wrdreg $0xFFFFFFFF  }
0x39: {  	_ =	task.clear_ibuf [dreg:s7], $0x2FFFF;
	_ =	strace $0x9FFFFFFF  }
0x3a: {  	(tm) =	ssettm $0x7FFFFFFF  }
0x3b: {  	_ =	shalt  }
tec
execute0_lowered:
.L_overlay_start_1:
0x0: {  	(tag) =	ssettag $0x1  }
0x1: {  	s0 =	srdreg.scid  }
0x2: {  	s1 =	sshll.u32 s0, $0x4  }
0x3: {  	s0 =	stileid.u32;
	s1 =	sand.u32 $0x10, s1  }
0x4: {  	s1 =	sor.u32 s0, s1  }
0x5: {  	s6 =	rddreg [dreg:$0x0];
	s4 =	simm.s32 $0x1;
	s2 =	sshll.u32 s1, $0x6  }
0x6: {  	s7 =	simm.s32 $0x2;
	s13 =	simm.s32 $0x0;
	s1 =	ssub.s32 $0x4000, s2  }
0x7: {  	s8 =	simm.s32 $0x2000;
	s9 =	simm.s32 $0x200000;
	s3 =	sand.u32 $0x7C0, s1  }
0x8: {  	s14 =	simm.s32 $0x0;
	s5 =	sshrl.u32 s1, $0xB;
	p0 =	sne.s32 s3, $0x0  }
.Ltmp0:
0x9: {  	s1 =	rddreg [dreg:$0x2];
	s4 =	simm.s32 @!p0 $0x0;
	(pc) =	sbr.rel .LBB1_1-.Ltmp0, $4  }
0xa: {  	s10 =	simm.s32 $0x0;
	s3 =	rddreg [dreg:$0x1];
	s5 =	sadd.s32 s4, s5  }
0xb: {  	_ =	strace $0x8000004A;
	s4 =	simm.s32 $0x1;
	s5 =	smul.u32 $0x19, s5  }
0xc: {  	s12 =	simm.s32 $0x0;
	s6 =	sadd.s32 $0xC80C00, s6;
	[sflag:s4] =	ssyncpa.u1 $0x0  }
0xd: {  	s11 =	smov.u32 s2;
	[sflag:s7] =	ssyncpa.u1 $0x0;
	s7 =	sadd.s32 $0x1, s5  }
.LBB1_7:
0xe: {  	s15 =	sadd.s32 $0x2, s10  }
0xf: {  	s13 =	sadd.s32 $0x800, s11;
	s17 =	smov.u32 s11;
	p1 =	sgt.s32 s15, $0x31  }
0x10: {  	s17 =	smov.u32 @p1 s13  }
0x11: {  	s15 =	simm.s32 @p1 $0x0;
	p1 =	sgt.s32 s17, $0x3FFF  }
0x12: {  	s17 =	smov.u32 @p1 s2;
	p1 =	sne.s32 s12, s7  }
.Ltmp1:
0x13: {  	p0 =	slt.u32 s12, $0x2;
	(pc) =	sbr.rel @!p1 .LBB1_8-.Ltmp1, $4  }
0x14: {  	s16 =	simm.s32 @!p0 $0x2  }
0x15: {  	s14 =	smov.u32 s11;
	_ =	swait.ge @!p0 [sflag:s16], $0x4000  }
0x16: {  	s13 =	smov.u32 s10;
	[sflag:s16] =	ssyncset.done @!p0 $0x0;
	s10 =	smov.u32 s15  }
0x17: {  	s12 =	sadd.s32 $0x1, s12;
	[sflag:s16] =	ssyncadd.s32 @!p0 $0xFFFFC000;
	s11 =	smov.u32 s17  }
.LBB1_1:
0x18: {  	p0 =	sge.u32 s12, s5  }
0x19: {  	s15 =	sand.u32 @!p0 $0x1FFFFFF, s10  }
0x1a: {  	s16 =	smulhi.u32 @!p0 $0x4924925, s15;
	_ =	sdelay $0x1  }
0x1b: {  	s16 =	smul.u32 @!p0 $0x38, s16  }
0x1c: {  	s17 =	sxor.u32 @!p0 $0xFFFFFFFF, s12;
	s18 =	smul.u32 @!p0 $0x380, s11  }
0x1d: {  	s31 =	sadd.s32 $0xFFFFFFFF, s12;
	s17 =	sshll.u32 @!p0 s17, $0xE;
	s15 =	ssub.s32 @!p0 s15, s16  }
0x1e: {  	s16 =	sand.u32 @!p0 $0x4000, s17;
	s17 =	sadd.s32 @!p0 s6, s18;
	s15 =	sshll.u32 @!p0 s15, $0x4  }
0x1f: {  	s18 =	simm.s32 @!p0 $0x1C00;
	s15 =	sadd.s32 @!p0 s15, s17;
	s17 =	simm.s32 @!p0 $0x100  }
0x20: {  	[tilespmem:s16], [sflag:$0x1] =	stream.strided.gather @!p0 [hbm4b:s15+s17], $0x4000, s18, s17, $0x38;
	[tilespmem:$0x10000] =	vst v63  }
0x21: {  	p0 =	sge.u32 s31, s5  }
.Ltmp2:
0x22: {  	_ = 	snop;
	(pc) =	sbr.rel @p0 .LBB1_7-.Ltmp2, $1  }
0x23: {  	_ =	sdelay $0x3  }
0x24: {  	_ =	swait.ge [sflag:s4], $0x4000;
	s15 =	sshll.u32 s12, $0xE  }
0x25: {  	[sflag:s4] =	ssyncset.done $0x0;
	s16 =	sand.u32 $0x4000, s15  }
0x26: {  	s17 =	simm.s32 $0x0;
	[sflag:s4] =	ssyncadd.s32 $0xFFFFC000;
	s15 =	sor.u32 $0x8000, s16  }
.LBB1_3:
0x27: {  	s18 =	sshll.u32 s17, $0x8  }
0x28: {  	s18 =	sand.u32 $0x3FFFFF00, s18  }
0x29: {  	s19 =	sshll.u32 s17, $0x7;
	s18 =	sadd.s32 s18, s16  }
0x2a: {  	s19 =	sand.u32 $0x3FFFFF80, s19;
	v0 =	vmov s18  }
0x2b: {  	s19 =	sadd.s32 s19, s15  }
0x2c: {  	p0 =	por $0x1, $0x1;
	v1 =	vmov s19;
	s18 =	simm.s32 $0x0  }
.LBB1_4:
0x2d: {  	s19 =	sshll.u32 s18, $0x7  }
0x2e: {  	s19 =	sand.u32 $0x3FFFFF80, s19  }
0x2f: {  	v2 =	vld.idx.msk [tilespmem:v0+s19+$0x0 ss:$0x1], $0xffff  }
0x30: {  	v3 =	vld.idx.msk [tilespmem:v0+s19+$0x10 ss:$0x1], $0xffff  }
0x31: {  	v4 =	vld.idx.msk [tilespmem:v0+s19+$0x20 ss:$0x1], $0xffff  }
0x32: {  	s31 =	sshll.u32 s18, $0xD;
	v5 =	vld.idx.msk [tilespmem:v0+s19+$0x30 ss:$0x1], $0xffff  }
0x33: {  	s18 =	sand.u32 $0x3FFFE000, s31;
	v6 =	vld.idx.msk [tilespmem:v0+s19+$0x40 ss:$0x1], $0xffff  }
0x34: {  	v63 =	vld.idx.msk [tilespmem:v0+s19+$0x70 ss:$0x1], $0xffff;
	[tilespmem:v1+s18+$0x0 ss:$0x1] =	vst.idx.msk $0xffff, v2  }
0x35: {  	v2 =	vld.idx.msk [tilespmem:v0+s19+$0x50 ss:$0x1], $0xffff;
	[tilespmem:v1+s18+$0x10 ss:$0x1] =	vst.idx.msk $0xffff, v3  }
0x36: {  	p1 =	por p0, p0;
	v3 =	vld.idx.msk [tilespmem:v0+s19+$0x60 ss:$0x1], $0xffff;
	[tilespmem:v1+s18+$0x20 ss:$0x1] =	vst.idx.msk $0xffff, v4  }
.Ltmp3:
0x37: {  	[tilespmem:v1+s18+$0x30 ss:$0x1] =	vst.idx.msk $0xffff, v5;
	(pc) =	sbr.rel @p1 .LBB1_4-.Ltmp3, $4  }
0x38: {  	[tilespmem:v1+s18+$0x40 ss:$0x1] =	vst.idx.msk $0xffff, v6  }
0x39: {  	[tilespmem:v1+s18+$0x70 ss:$0x1] =	vst.idx.msk $0xffff, v63  }
0x3a: {  	[tilespmem:v1+s18+$0x50 ss:$0x1] =	vst.idx.msk $0xffff, v2  }
0x3b: {  	p0 =	por $0x0, $0x0;
	[tilespmem:v1+s18+$0x60 ss:$0x1] =	vst.idx.msk $0xffff, v3;
	s18 =	simm.s32 $0x1  }
0x3c: {  	s17 =	sadd.s32 $0x1, s17  }
0x3d: {  	p0 =	sne.s32 s17, $0x40  }
.Ltmp4:
0x3e: {  	_ = 	snop;
	(pc) =	sbr.rel @p0 .LBB1_3-.Ltmp4, $1  }
0x3f: {  	_ =	sdelay $0x3  }
.Ltmp5:
0x40: {  	s14 =	sshll.u32 s14, $0x4;
	(pc) =	sbr.rel .LBB1_7-.Ltmp5, $4  }
0x41: {  	s14 =	sand.u32 $0x3FFF0, s14  }
0x42: {  	s13 =	sshll.u32 s13, $0x12;
	s14 =	sadd.s32 s3, s14  }
0x43: {  	s13 =	sadd.s32 s13, s14  }
0x44: {  	[hbm4b:s13+s8] =	stream.strided.scatter [tilespmem:s15], [sflag:$0x2], $0x4000, s9, s8, $0x38;
	[tilespmem:$0x10000] =	vst v63  }
.LBB1_8:
0x45: {  	_ =	sfence.sel $0x180000  }
0x46: {  	s2 =	simm.s32 $0x1;
	[bflag:$0x0] =	sbarrier.arrive $0xFFFF  }
0x47: {  	s31 =	simm.s32 $0x2;
	[sflag:s2] =	ssyncpa.u1 $0x1  }
0x48: {  	[sflag:s31] =	ssyncpa.u1 $0x1  }
0x49: {  	p0 =	sne.s32 s0, $0x0;
	_ =	strace $0x9000004A  }
0x4a: {  	s0 =	sadd.s32 @!p0 $0x100000, s1;
	[bflag:$0x2] =	sbarrier.arrive $0xFFFF  }
0x4b: {  	[sflag:s0] =	ssyncadd.tile.s32 @!p0 $0x1;
	_ =	shalt  }
.Lfunc_end1:
_tile_overlayer_lowered:
.L_overlay_start_2:
0x4c: {  	(tag) =	ssettag $0x2  }
0x4d: {  	s0 =	rddreg [dreg:$0x0];
	s2 =	stileid.u32  }
0x4e: {  	s1 =	rddreg [dreg:$0x1];
	p0 =	sne.s32 s2, $0x0  }
0x4f: {  	s3 =	rddreg [dreg:$0x2];
	[bflag:$0x3] =	sbarrier.arrive $0xFFFF;
	s2 =	simm.s32 @!p0 $0x1C01  }
0x50: {  	[timem:s3], [sflag:s2] =	dma.local @!p0 [hbm:s0], s1  }
0x51: {  	s0 =	simm.s32 @!p0 $0x1  }
0x52: {  	_ =	swait.ge @!p0 [sflag:s0], s1  }
0x53: {  	s1 =	ssub.s32 @!p0 $0x0, s1;
	[sflag:s0] =	ssyncset.done @!p0 $0x0  }
0x54: {  	[sflag:s0] =	ssyncadd.s32 @!p0 s1  }
0x55: {  	[bflag:$0x3] =	sbarrier.arrive $0xFFFF  }
0x56: {  	_ =	shalt  }

</sc_bundles>
